<compile_context>
chip_gen: v7x
topology: tpu7x:2x2x1
jax: 0.10.2.dev20260603
libtpu: 0.0.44.dev20260713+nightly
codegen_flags: <defaults>
</compile_context>

<pallas_src>
import functools

import jax
import jax.numpy as jnp
from jax import lax
from jax.experimental import pallas as pl
from jax.experimental.pallas import tpu as pltpu
from jax.experimental.pallas import tpu_sc as plsc


def _make_gather(nw, nc, seq, bpw, D, V, bsz):
    ns = nw // nc
    v_per_tile = V // ns
    mesh = plsc.VectorSubcoreMesh(core_axis_name="c", subcore_axis_name="s")

    @functools.partial(
        pl.kernel,
        mesh=mesh,
        out_type=jax.ShapeDtypeStruct((seq, bsz, D), jnp.float32),
        scratch_types=[
            pltpu.VMEM((seq, bpw), jnp.int32),
            pltpu.VMEM((6, bpw, D), jnp.float32),
            pltpu.VMEM_SHARED((V, D), jnp.float32),
            pltpu.SemaphoreType.DMA((6,)),
            pltpu.SemaphoreType.DMA((6,)),
        ],
    )
    def k(idx_hbm, table_hbm, out_hbm, idx_v, rows_v, table_sh, gsem, wsem):
        sid = lax.axis_index("s")
        wid = sid * nc + lax.axis_index("c")
        base = wid * bpw
        tstage = pltpu.make_async_copy(
            table_hbm.at[pl.ds(sid * v_per_tile, v_per_tile)],
            table_sh.at[pl.ds(sid * v_per_tile, v_per_tile)], gsem.at[2])
        istage = pltpu.make_async_copy(
            idx_hbm.at[:, pl.ds(base, bpw)], idx_v, gsem.at[3])
        tstage.start()
        istage.start()
        istage.wait()
        tstage.wait()
        plsc.subcore_barrier()

        def gather(j, p):
            return pltpu.make_async_copy(
                table_sh.at[idx_v.at[j]], rows_v.at[p], gsem.at[p])

        def write(j, p):
            return pltpu.make_async_copy(
                rows_v.at[p], out_hbm.at[j, pl.ds(base, bpw)], wsem.at[p])

        gather(0, 0).start()
        gather(1, 1).start()

        def body(j, carry):
            p = j % 6
            q = (j + 2) % 6

            @pl.when(j >= 4)
            def _():
                write(j - 4, q).wait()

            @pl.when(j + 2 < seq)
            def _():
                gather(j + 2, q).start()

            gather(j, p).wait()
            write(j, p).start()
            return carry

        lax.fori_loop(0, seq, body, 0)
        for t in range(4):
            j = seq - 4 + t
            write(j, j % 6).wait()

    return k


def kernel(indices, weights):
    bsz, seq = indices.shape
    V, D = weights.shape
    info = plsc.get_sparse_core_info()
    nc, ns = info.num_cores, info.num_subcores
    nw = nc * ns
    idxT = indices.astype(jnp.int32).T
    pad = (-bsz) % nw
    if pad:
        idxT = jnp.concatenate(
            [idxT, jnp.zeros((seq, pad), jnp.int32)], axis=1)
    bpw = (bsz + pad) // nw
    out = _make_gather(nw, nc, seq, bpw, D, V, bsz + pad)(idxT, weights)
    return jnp.transpose(out, (1, 0, 2))[:bsz]

# --- scband reference (transcript-rebuilt; emitter-appended) ---
"""Pipeline reference for scband-sinusoidal-segment-embedding-33174327394976 (READ-ONLY COPY).

The authoritative reference and input builder live on the scoring server;
editing this copy changes nothing except your own understanding.
"""

import math
import jax, jax.numpy as jnp
import numpy as np

EMBEDDING_DIM = 128
PADDING_IDX = 0
INIT_SIZE = 1024


def get_embedding(num_embeddings, embedding_dim, padding_idx=None):
    half_dim = embedding_dim // 2
    emb_scale = math.log(10000) / (half_dim - 1)
    emb = jnp.exp(jnp.arange(half_dim, dtype=jnp.float32) * -emb_scale)
    emb = jnp.arange(num_embeddings, dtype=jnp.float32)[:, None] * emb[None, :]
    emb = jnp.concatenate([jnp.sin(emb), jnp.cos(emb)], axis=1).reshape(num_embeddings, -1)
    if embedding_dim % 2 == 1:
        emb = jnp.concatenate([emb, jnp.zeros((num_embeddings, 1), dtype=jnp.float32)], axis=1)
    if padding_idx is not None:
        emb = emb.at[padding_idx, :].set(0.0)
    return emb


def setup_inputs(seed: int = 0) -> dict:
    key = jax.random.key(seed)
    indices = jax.random.randint(key, (4096, 50), 0, 1023, dtype=jnp.int64 if jax.config.jax_enable_x64 else jnp.int32)
    weights = get_embedding(INIT_SIZE, EMBEDDING_DIM, PADDING_IDX)
    return {"indices": indices, "weights": weights}


def reference(indices, weights):
    bsz, seq_len = indices.shape
    flat = jnp.take(weights, indices.reshape(-1), axis=0)
    return flat.reshape(bsz, seq_len, -1)

if __name__ == "__main__":
    import jax
    _d = setup_inputs()
    print(jax.jit(kernel)(*tuple(_d.values())))

</pallas_src>

<mosaic_0001>
#map = affine_map<(d0, d1) -> (0, 0)>
#map1 = affine_map<(d0, d1) -> (0, 0, 0)>
module attributes {stable_mosaic.version = 14 : i64} {
  func.func @k(%arg0: i32, %arg1: i32, %arg2: memref<50x4096xi32, #tpu.memory_space<hbm>>, %arg3: memref<1024x128xf32, #tpu.memory_space<hbm>>, %arg4: memref<50x4096x128xf32, #tpu.memory_space<hbm>>, %arg5: memref<50x128xi32, #tpu.memory_space<vmem>>, %arg6: memref<6x128x128xf32, #tpu.memory_space<vmem>>, %arg7: memref<1024x128xf32, #tpu.memory_space<vmem_shared>>, %arg8: memref<6x!tpu.dma_semaphore, #tpu.memory_space<semaphore_mem>>, %arg9: memref<6x!tpu.dma_semaphore, #tpu.memory_space<semaphore_mem>>) attributes {dimension_semantics = [#tpu.dimension_semantics<core_parallel>, #tpu.dimension_semantics<subcore_parallel>], iteration_bounds = array<i64: 2, 16>, scalar_prefetch = 0 : i64, scratch_operands = 5 : i64, tpu.core_type = #tpu.core_type<sc_vector_subcore>, window_params = [{transform_indices = #map}, {transform_indices = #map}, {transform_indices = #map1}]} {
    %mul3A = arith.constant 2 : i32
    %mul3A_0 = arith.muli %arg1, %mul3A : i32
    %add3A = arith.addi %mul3A_0, %arg0 : i32
    %mul3A_1 = arith.constant 128 : i32
    %mul3A_2 = arith.muli %add3A, %mul3A_1 : i32
    %mul3A_3 = arith.constant 64 : i32
    %mul3A_4 = arith.muli %arg1, %mul3A_3 : i32
    %mul3A_5 = arith.constant 64 : i32
    %mul3A_6 = arith.muli %arg1, %mul3A_5 : i32
    %dma_start3A = arith.constant 2 : i32
    %dma_start3A_7 = tpu.memref_slice %arg8[%dma_start3A] : memref<6x!tpu.dma_semaphore, #tpu.memory_space<semaphore_mem>> -> memref<1x!tpu.dma_semaphore, #tpu.memory_space<semaphore_mem>>
    %dma_start3A_8 = tpu.memref_squeeze %dma_start3A_7 : memref<1x!tpu.dma_semaphore, #tpu.memory_space<semaphore_mem>> -> memref<!tpu.dma_semaphore, #tpu.memory_space<semaphore_mem>>
    %dma_start3A_9 = arith.constant 0 : i32
    %dma_start3A_10 = tpu.memref_slice %arg7[%mul3A_6, %dma_start3A_9] : memref<1024x128xf32, #tpu.memory_space<vmem_shared>> -> memref<64x128xf32, #tpu.memory_space<vmem_shared>>
    %dma_start3A_11 = arith.constant 0 : i32
    %dma_start3A_12 = tpu.memref_slice %arg3[%mul3A_4, %dma_start3A_11] : memref<1024x128xf32, #tpu.memory_space<hbm>> -> memref<64x128xf32, #tpu.memory_space<hbm>>
    tpu.enqueue_dma source(%dma_start3A_12 : memref<64x128xf32, #tpu.memory_space<hbm>>) target(%dma_start3A_10 : memref<64x128xf32, #tpu.memory_space<vmem_shared>>) target_semaphore(%dma_start3A_8 : memref<!tpu.dma_semaphore, #tpu.memory_space<semaphore_mem>>)
    %dma_start3A_13 = arith.constant 3 : i32
    %dma_start3A_14 = arith.constant 0 : i32
    %dma_start3A_15 = tpu.memref_slice %arg2[%dma_start3A_14, %mul3A_2] : memref<50x4096xi32, #tpu.memory_space<hbm>> -> memref<50x128xi32, #tpu.memory_space<hbm>>
    %dma_start3A_16 = tpu.memref_slice %arg8[%dma_start3A_13] : memref<6x!tpu.dma_semaphore, #tpu.memory_space<semaphore_mem>> -> memref<1x!tpu.dma_semaphore, #tpu.memory_space<semaphore_mem>>
    %dma_start3A_17 = tpu.memref_squeeze %dma_start3A_16 : memref<1x!tpu.dma_semaphore, #tpu.memory_space<semaphore_mem>> -> memref<!tpu.dma_semaphore, #tpu.memory_space<semaphore_mem>>
    %dma_start3A_18 = arith.constant 0 : i32
    %dma_start3A_19 = tpu.memref_slice %arg2[%dma_start3A_18, %mul3A_2] : memref<50x4096xi32, #tpu.memory_space<hbm>> -> memref<50x128xi32, #tpu.memory_space<hbm>>
    tpu.enqueue_dma source(%dma_start3A_19 : memref<50x128xi32, #tpu.memory_space<hbm>>) target(%arg5 : memref<50x128xi32, #tpu.memory_space<vmem>>) target_semaphore(%dma_start3A_17 : memref<!tpu.dma_semaphore, #tpu.memory_space<semaphore_mem>>)
    %dma_wait3A = arith.constant 3 : i32
    %dma_wait3A_20 = arith.constant 0 : i32
    %dma_wait3A_21 = tpu.memref_slice %arg2[%dma_wait3A_20, %mul3A_2] : memref<50x4096xi32, #tpu.memory_space<hbm>> -> memref<50x128xi32, #tpu.memory_space<hbm>>
    %dma_wait3A_22 = tpu.memref_slice %arg8[%dma_wait3A] : memref<6x!tpu.dma_semaphore, #tpu.memory_space<semaphore_mem>> -> memref<1x!tpu.dma_semaphore, #tpu.memory_space<semaphore_mem>>
    %dma_wait3A_23 = tpu.memref_squeeze %dma_wait3A_22 : memref<1x!tpu.dma_semaphore, #tpu.memory_space<semaphore_mem>> -> memref<!tpu.dma_semaphore, #tpu.memory_space<semaphore_mem>>
    %dma_wait3A_24 = arith.constant 0 : i32
    %dma_wait3A_25 = tpu.memref_slice %arg2[%dma_wait3A_24, %mul3A_2] : memref<50x4096xi32, #tpu.memory_space<hbm>> -> memref<50x128xi32, #tpu.memory_space<hbm>>
    tpu.wait_dma2 semaphore(%dma_wait3A_23 : memref<!tpu.dma_semaphore, #tpu.memory_space<semaphore_mem>>) src(%dma_wait3A_25 : memref<50x128xi32, #tpu.memory_space<hbm>>) dst(%arg5 : memref<50x128xi32, #tpu.memory_space<vmem>>)
    %dma_wait3A_26 = arith.constant 2 : i32
    %dma_wait3A_27 = tpu.memref_slice %arg8[%dma_wait3A_26] : memref<6x!tpu.dma_semaphore, #tpu.memory_space<semaphore_mem>> -> memref<1x!tpu.dma_semaphore, #tpu.memory_space<semaphore_mem>>
    %dma_wait3A_28 = tpu.memref_squeeze %dma_wait3A_27 : memref<1x!tpu.dma_semaphore, #tpu.memory_space<semaphore_mem>> -> memref<!tpu.dma_semaphore, #tpu.memory_space<semaphore_mem>>
    %dma_wait3A_29 = arith.constant 0 : i32
    %dma_wait3A_30 = tpu.memref_slice %arg7[%mul3A_6, %dma_wait3A_29] : memref<1024x128xf32, #tpu.memory_space<vmem_shared>> -> memref<64x128xf32, #tpu.memory_space<vmem_shared>>
    %dma_wait3A_31 = arith.constant 0 : i32
    %dma_wait3A_32 = tpu.memref_slice %arg3[%mul3A_4, %dma_wait3A_31] : memref<1024x128xf32, #tpu.memory_space<hbm>> -> memref<64x128xf32, #tpu.memory_space<hbm>>
    tpu.wait_dma2 semaphore(%dma_wait3A_28 : memref<!tpu.dma_semaphore, #tpu.memory_space<semaphore_mem>>) src(%dma_wait3A_32 : memref<64x128xf32, #tpu.memory_space<hbm>>) dst(%dma_wait3A_30 : memref<64x128xf32, #tpu.memory_space<vmem_shared>>)
    %barrier3A = arith.constant 0 : index
    tpu.barrier barrier_id(%barrier3A)
    %dma_start3A_33 = arith.constant 0 : i32
    %dma_start3A_34 = arith.constant 0 : i32
    %dma_start3A_35 = arith.constant 0 : i32
    %dma_start3A_36 = arith.constant 0 : i32
    %dma_start3A_37 = arith.constant 0 : i32
    %dma_start3A_38 = tpu.memref_slice %arg6[%dma_start3A_34, %dma_start3A_36, %dma_start3A_37] : memref<6x128x128xf32, #tpu.memory_space<vmem>> -> memref<1x128x128xf32, #tpu.memory_space<vmem>>
    %dma_start3A_39 = tpu.memref_squeeze %dma_start3A_38 : memref<1x128x128xf32, #tpu.memory_space<vmem>> -> memref<128x128xf32, #tpu.memory_space<vmem>>
    %dma_start3A_40 = arith.constant 0 : i32
    %dma_start3A_41 = tpu.memref_slice %arg5[%dma_start3A_33, %dma_start3A_40] : memref<50x128xi32, #tpu.memory_space<vmem>> -> memref<1x128xi32, #tpu.memory_space<vmem>>
    %dma_start3A_42 = tpu.memref_squeeze %dma_start3A_41 : memref<1x128xi32, #tpu.memory_space<vmem>> -> memref<128xi32, #tpu.memory_space<vmem>>
    %dma_start3A_43 = arith.constant 0 : i32
    %dma_start3A_44 = arith.constant 0 : i32
    %dma_start3A_45 = tpu.memref_slice %arg7[%dma_start3A_43, %dma_start3A_44] : memref<1024x128xf32, #tpu.memory_space<vmem_shared>> -> memref<1024x128xf32, #tpu.memory_space<vmem_shared>>
    %dma_start3A_46 = tpu.memref_slice %arg8[%dma_start3A_35] : memref<6x!tpu.dma_semaphore, #tpu.memory_space<semaphore_mem>> -> memref<1x!tpu.dma_semaphore, #tpu.memory_space<semaphore_mem>>
    %dma_start3A_47 = tpu.memref_squeeze %dma_start3A_46 : memref<1x!tpu.dma_semaphore, #tpu.memory_space<semaphore_mem>> -> memref<!tpu.dma_semaphore, #tpu.memory_space<semaphore_mem>>
    tpu.enqueue_indirect_dma source(%dma_start3A_45 : memref<1024x128xf32, #tpu.memory_space<vmem_shared>>) target(%dma_start3A_39 : memref<128x128xf32, #tpu.memory_space<vmem>>) offsets(%dma_start3A_42 : memref<128xi32, #tpu.memory_space<vmem>>) semaphore(%dma_start3A_47 : memref<!tpu.dma_semaphore, #tpu.memory_space<semaphore_mem>>)
    %dma_start3A_48 = arith.constant 1 : i32
    %dma_start3A_49 = arith.constant 1 : i32
    %dma_start3A_50 = arith.constant 1 : i32
    %dma_start3A_51 = arith.constant 0 : i32
    %dma_start3A_52 = arith.constant 0 : i32
    %dma_start3A_53 = tpu.memref_slice %arg6[%dma_start3A_49, %dma_start3A_51, %dma_start3A_52] : memref<6x128x128xf32, #tpu.memory_space<vmem>> -> memref<1x128x128xf32, #tpu.memory_space<vmem>>
    %dma_start3A_54 = tpu.memref_squeeze %dma_start3A_53 : memref<1x128x128xf32, #tpu.memory_space<vmem>> -> memref<128x128xf32, #tpu.memory_space<vmem>>
    %dma_start3A_55 = arith.constant 0 : i32
    %dma_start3A_56 = tpu.memref_slice %arg5[%dma_start3A_48, %dma_start3A_55] : memref<50x128xi32, #tpu.memory_space<vmem>> -> memref<1x128xi32, #tpu.memory_space<vmem>>
    %dma_start3A_57 = tpu.memref_squeeze %dma_start3A_56 : memref<1x128xi32, #tpu.memory_space<vmem>> -> memref<128xi32, #tpu.memory_space<vmem>>
    %dma_start3A_58 = arith.constant 0 : i32
    %dma_start3A_59 = arith.constant 0 : i32
    %dma_start3A_60 = tpu.memref_slice %arg7[%dma_start3A_58, %dma_start3A_59] : memref<1024x128xf32, #tpu.memory_space<vmem_shared>> -> memref<1024x128xf32, #tpu.memory_space<vmem_shared>>
    %dma_start3A_61 = tpu.memref_slice %arg8[%dma_start3A_50] : memref<6x!tpu.dma_semaphore, #tpu.memory_space<semaphore_mem>> -> memref<1x!tpu.dma_semaphore, #tpu.memory_space<semaphore_mem>>
    %dma_start3A_62 = tpu.memref_squeeze %dma_start3A_61 : memref<1x!tpu.dma_semaphore, #tpu.memory_space<semaphore_mem>> -> memref<!tpu.dma_semaphore, #tpu.memory_space<semaphore_mem>>
    tpu.enqueue_indirect_dma source(%dma_start3A_60 : memref<1024x128xf32, #tpu.memory_space<vmem_shared>>) target(%dma_start3A_54 : memref<128x128xf32, #tpu.memory_space<vmem>>) offsets(%dma_start3A_57 : memref<128xi32, #tpu.memory_space<vmem>>) semaphore(%dma_start3A_62 : memref<!tpu.dma_semaphore, #tpu.memory_space<semaphore_mem>>)
    %scan3A = arith.constant 0 : i32
    %scan3A_63 = arith.constant 0 : i32
    %scan3A_64 = arith.constant 50 : i32
    %scan3A_65 = arith.addi %scan3A_63, %scan3A_64 : i32
    %scan3A_66 = arith.constant 1 : i32
    scf.for %scan3A_144 = %scan3A_63 to %scan3A_65 step %scan3A_66  : i32 {
      %jit3A = arith.constant 6 : i32
      %eq3A = arith.constant 0 : i32
      %eq3A_145 = arith.cmpi eq, %jit3A, %eq3A : i32
      %jit3A_146 = arith.constant 1 : i32
      %select_n3A = arith.select %eq3A_145, %jit3A_146, %jit3A : i32
      %rem3A = arith.remsi %scan3A_144, %select_n3A : i32
      %ne3A = arith.constant 0 : i32
      %ne3A_147 = arith.cmpi ne, %rem3A, %ne3A : i32
      %lt3A = arith.constant 0 : i32
      %lt3A_148 = arith.cmpi slt, %rem3A, %lt3A : i32
      %lt3A_149 = arith.constant 0 : i32
      %lt3A_150 = arith.cmpi slt, %select_n3A, %lt3A_149 : i32
      %ne3A_151 = arith.xori %lt3A_148, %lt3A_150 : i1
      %and3A = arith.andi %ne3A_151, %ne3A_147 : i1
      %add3A_152 = arith.addi %rem3A, %select_n3A : i32
      %select_n3A_153 = arith.select %and3A, %add3A_152, %rem3A : i32
      %add3A_154 = arith.constant 2 : i32
      %add3A_155 = arith.addi %scan3A_144, %add3A_154 : i32
      %jit3A_156 = arith.constant 6 : i32
      %eq3A_157 = arith.constant 0 : i32
      %eq3A_158 = arith.cmpi eq, %jit3A_156, %eq3A_157 : i32
      %jit3A_159 = arith.constant 1 : i32
      %select_n3A_160 = arith.select %eq3A_158, %jit3A_159, %jit3A_156 : i32
      %rem3A_161 = arith.remsi %add3A_155, %select_n3A_160 : i32
      %ne3A_162 = arith.constant 0 : i32
      %ne3A_163 = arith.cmpi ne, %rem3A_161, %ne3A_162 : i32
      %lt3A_164 = arith.constant 0 : i32
      %lt3A_165 = arith.cmpi slt, %rem3A_161, %lt3A_164 : i32
      %lt3A_166 = arith.constant 0 : i32
      %lt3A_167 = arith.cmpi slt, %select_n3A_160, %lt3A_166 : i32
      %ne3A_168 = arith.xori %lt3A_165, %lt3A_167 : i1
      %and3A_169 = arith.andi %ne3A_168, %ne3A_163 : i1
      %add3A_170 = arith.addi %rem3A_161, %select_n3A_160 : i32
      %select_n3A_171 = arith.select %and3A_169, %add3A_170, %rem3A_161 : i32
      %ge3A = arith.constant 4 : i32
      %ge3A_172 = arith.cmpi sge, %scan3A_144, %ge3A : i32
      %convert_element_type3A = arith.extui %ge3A_172 : i1 to i32
      %cond3A = arith.constant 0 : i32
      %cond3A_173 = arith.cmpi ne, %convert_element_type3A, %cond3A : i32
      scf.if %cond3A_173 {
        %sub3A = arith.constant 4 : i32
        %sub3A_209 = arith.subi %scan3A_144, %sub3A : i32
        %dma_wait3A_210 = arith.constant 0 : i32
        %dma_wait3A_211 = arith.constant 0 : i32
        %dma_wait3A_212 = tpu.memref_slice %arg6[%select_n3A_171, %dma_wait3A_210, %dma_wait3A_211] : memref<6x128x128xf32, #tpu.memory_space<vmem>> -> memref<1x128x128xf32, #tpu.memory_space<vmem>>
        %dma_wait3A_213 = tpu.memref_squeeze %dma_wait3A_212 : memref<1x128x128xf32, #tpu.memory_space<vmem>> -> memref<128x128xf32, #tpu.memory_space<vmem>>
        %dma_wait3A_214 = arith.constant 0 : i32
        %dma_wait3A_215 = tpu.memref_slice %arg4[%sub3A_209, %mul3A_2, %dma_wait3A_214] : memref<50x4096x128xf32, #tpu.memory_space<hbm>> -> memref<1x128x128xf32, #tpu.memory_space<hbm>>
        %dma_wait3A_216 = tpu.memref_squeeze %dma_wait3A_215 : memref<1x128x128xf32, #tpu.memory_space<hbm>> -> memref<128x128xf32, #tpu.memory_space<hbm>>
        %dma_wait3A_217 = tpu.memref_slice %arg9[%select_n3A_171] : memref<6x!tpu.dma_semaphore, #tpu.memory_space<semaphore_mem>> -> memref<1x!tpu.dma_semaphore, #tpu.memory_space<semaphore_mem>>
        %dma_wait3A_218 = tpu.memref_squeeze %dma_wait3A_217 : memref<1x!tpu.dma_semaphore, #tpu.memory_space<semaphore_mem>> -> memref<!tpu.dma_semaphore, #tpu.memory_space<semaphore_mem>>
        %dma_wait3A_219 = arith.constant 0 : i32
        %dma_wait3A_220 = tpu.memref_slice %arg4[%sub3A_209, %mul3A_2, %dma_wait3A_219] : memref<50x4096x128xf32, #tpu.memory_space<hbm>> -> memref<1x128x128xf32, #tpu.memory_space<hbm>>
        %dma_wait3A_221 = tpu.memref_squeeze %dma_wait3A_220 : memref<1x128x128xf32, #tpu.memory_space<hbm>> -> memref<128x128xf32, #tpu.memory_space<hbm>>
        %dma_wait3A_222 = arith.constant 0 : i32
        %dma_wait3A_223 = arith.constant 0 : i32
        %dma_wait3A_224 = tpu.memref_slice %arg6[%select_n3A_171, %dma_wait3A_222, %dma_wait3A_223] : memref<6x128x128xf32, #tpu.memory_space<vmem>> -> memref<1x128x128xf32, #tpu.memory_space<vmem>>
        %dma_wait3A_225 = tpu.memref_squeeze %dma_wait3A_224 : memref<1x128x128xf32, #tpu.memory_space<vmem>> -> memref<128x128xf32, #tpu.memory_space<vmem>>
        tpu.wait_dma2 semaphore(%dma_wait3A_218 : memref<!tpu.dma_semaphore, #tpu.memory_space<semaphore_mem>>) src(%dma_wait3A_225 : memref<128x128xf32, #tpu.memory_space<vmem>>) dst(%dma_wait3A_221 : memref<128x128xf32, #tpu.memory_space<hbm>>)
      } else {
      }
      %add3A_174 = arith.constant 2 : i32
      %add3A_175 = arith.addi %scan3A_144, %add3A_174 : i32
      %lt3A_176 = arith.constant 50 : i32
      %lt3A_177 = arith.cmpi slt, %add3A_175, %lt3A_176 : i32
      %convert_element_type3A_178 = arith.extui %lt3A_177 : i1 to i32
      %cond3A_179 = arith.constant 0 : i32
      %cond3A_180 = arith.cmpi ne, %convert_element_type3A_178, %cond3A_179 : i32
      scf.if %cond3A_180 {
        %add3A_209 = arith.constant 2 : i32
        %add3A_210 = arith.addi %scan3A_144, %add3A_209 : i32
        %dma_start3A_211 = arith.constant 0 : i32
        %dma_start3A_212 = arith.constant 0 : i32
        %dma_start3A_213 = tpu.memref_slice %arg6[%select_n3A_171, %dma_start3A_211, %dma_start3A_212] : memref<6x128x128xf32, #tpu.memory_space<vmem>> -> memref<1x128x128xf32, #tpu.memory_space<vmem>>
        %dma_start3A_214 = tpu.memref_squeeze %dma_start3A_213 : memref<1x128x128xf32, #tpu.memory_space<vmem>> -> memref<128x128xf32, #tpu.memory_space<vmem>>
        %dma_start3A_215 = arith.constant 0 : i32
        %dma_start3A_216 = tpu.memref_slice %arg5[%add3A_210, %dma_start3A_215] : memref<50x128xi32, #tpu.memory_space<vmem>> -> memref<1x128xi32, #tpu.memory_space<vmem>>
        %dma_start3A_217 = tpu.memref_squeeze %dma_start3A_216 : memref<1x128xi32, #tpu.memory_space<vmem>> -> memref<128xi32, #tpu.memory_space<vmem>>
        %dma_start3A_218 = arith.constant 0 : i32
        %dma_start3A_219 = arith.constant 0 : i32
        %dma_start3A_220 = tpu.memref_slice %arg7[%dma_start3A_218, %dma_start3A_219] : memref<1024x128xf32, #tpu.memory_space<vmem_shared>> -> memref<1024x128xf32, #tpu.memory_space<vmem_shared>>
        %dma_start3A_221 = tpu.memref_slice %arg8[%select_n3A_171] : memref<6x!tpu.dma_semaphore, #tpu.memory_space<semaphore_mem>> -> memref<1x!tpu.dma_semaphore, #tpu.memory_space<semaphore_mem>>
        %dma_start3A_222 = tpu.memref_squeeze %dma_start3A_221 : memref<1x!tpu.dma_semaphore, #tpu.memory_space<semaphore_mem>> -> memref<!tpu.dma_semaphore, #tpu.memory_space<semaphore_mem>>
        tpu.enqueue_indirect_dma source(%dma_start3A_220 : memref<1024x128xf32, #tpu.memory_space<vmem_shared>>) target(%dma_start3A_214 : memref<128x128xf32, #tpu.memory_space<vmem>>) offsets(%dma_start3A_217 : memref<128xi32, #tpu.memory_space<vmem>>) semaphore(%dma_start3A_222 : memref<!tpu.dma_semaphore, #tpu.memory_space<semaphore_mem>>)
      } else {
      }
      %dma_wait3A_181 = arith.constant 0 : i32
      %dma_wait3A_182 = arith.constant 0 : i32
      %dma_wait3A_183 = tpu.memref_slice %arg6[%select_n3A_153, %dma_wait3A_181, %dma_wait3A_182] : memref<6x128x128xf32, #tpu.memory_space<vmem>> -> memref<1x128x128xf32, #tpu.memory_space<vmem>>
      %dma_wait3A_184 = tpu.memref_squeeze %dma_wait3A_183 : memref<1x128x128xf32, #tpu.memory_space<vmem>> -> memref<128x128xf32, #tpu.memory_space<vmem>>
      %dma_wait3A_185 = arith.constant 0 : i32
      %dma_wait3A_186 = tpu.memref_slice %arg5[%scan3A_144, %dma_wait3A_185] : memref<50x128xi32, #tpu.memory_space<vmem>> -> memref<1x128xi32, #tpu.memory_space<vmem>>
      %dma_wait3A_187 = tpu.memref_squeeze %dma_wait3A_186 : memref<1x128xi32, #tpu.memory_space<vmem>> -> memref<128xi32, #tpu.memory_space<vmem>>
      %dma_wait3A_188 = arith.constant 0 : i32
      %dma_wait3A_189 = arith.constant 0 : i32
      %dma_wait3A_190 = tpu.memref_slice %arg7[%dma_wait3A_188, %dma_wait3A_189] : memref<1024x128xf32, #tpu.memory_space<vmem_shared>> -> memref<1024x128xf32, #tpu.memory_space<vmem_shared>>
      %dma_wait3A_191 = tpu.memref_slice %arg8[%select_n3A_153] : memref<6x!tpu.dma_semaphore, #tpu.memory_space<semaphore_mem>> -> memref<1x!tpu.dma_semaphore, #tpu.memory_space<semaphore_mem>>
      %dma_wait3A_192 = tpu.memref_squeeze %dma_wait3A_191 : memref<1x!tpu.dma_semaphore, #tpu.memory_space<semaphore_mem>> -> memref<!tpu.dma_semaphore, #tpu.memory_space<semaphore_mem>>
      tpu.wait_indirect_dma semaphore(%dma_wait3A_192 : memref<!tpu.dma_semaphore, #tpu.memory_space<semaphore_mem>>) src(%dma_wait3A_190 : memref<1024x128xf32, #tpu.memory_space<vmem_shared>>) dst(%dma_wait3A_184 : memref<128x128xf32, #tpu.memory_space<vmem>>)
      %dma_start3A_193 = arith.constant 0 : i32
      %dma_start3A_194 = arith.constant 0 : i32
      %dma_start3A_195 = tpu.memref_slice %arg6[%select_n3A_153, %dma_start3A_193, %dma_start3A_194] : memref<6x128x128xf32, #tpu.memory_space<vmem>> -> memref<1x128x128xf32, #tpu.memory_space<vmem>>
      %dma_start3A_196 = tpu.memref_squeeze %dma_start3A_195 : memref<1x128x128xf32, #tpu.memory_space<vmem>> -> memref<128x128xf32, #tpu.memory_space<vmem>>
      %dma_start3A_197 = arith.constant 0 : i32
      %dma_start3A_198 = tpu.memref_slice %arg4[%scan3A_144, %mul3A_2, %dma_start3A_197] : memref<50x4096x128xf32, #tpu.memory_space<hbm>> -> memref<1x128x128xf32, #tpu.memory_space<hbm>>
      %dma_start3A_199 = tpu.memref_squeeze %dma_start3A_198 : memref<1x128x128xf32, #tpu.memory_space<hbm>> -> memref<128x128xf32, #tpu.memory_space<hbm>>
      %dma_start3A_200 = tpu.memref_slice %arg9[%select_n3A_153] : memref<6x!tpu.dma_semaphore, #tpu.memory_space<semaphore_mem>> -> memref<1x!tpu.dma_semaphore, #tpu.memory_space<semaphore_mem>>
      %dma_start3A_201 = tpu.memref_squeeze %dma_start3A_200 : memref<1x!tpu.dma_semaphore, #tpu.memory_space<semaphore_mem>> -> memref<!tpu.dma_semaphore, #tpu.memory_space<semaphore_mem>>
      %dma_start3A_202 = arith.constant 0 : i32
      %dma_start3A_203 = tpu.memref_slice %arg4[%scan3A_144, %mul3A_2, %dma_start3A_202] : memref<50x4096x128xf32, #tpu.memory_space<hbm>> -> memref<1x128x128xf32, #tpu.memory_space<hbm>>
      %dma_start3A_204 = tpu.memref_squeeze %dma_start3A_203 : memref<1x128x128xf32, #tpu.memory_space<hbm>> -> memref<128x128xf32, #tpu.memory_space<hbm>>
      %dma_start3A_205 = arith.constant 0 : i32
      %dma_start3A_206 = arith.constant 0 : i32
      %dma_start3A_207 = tpu.memref_slice %arg6[%select_n3A_153, %dma_start3A_205, %dma_start3A_206] : memref<6x128x128xf32, #tpu.memory_space<vmem>> -> memref<1x128x128xf32, #tpu.memory_space<vmem>>
      %dma_start3A_208 = tpu.memref_squeeze %dma_start3A_207 : memref<1x128x128xf32, #tpu.memory_space<vmem>> -> memref<128x128xf32, #tpu.memory_space<vmem>>
      tpu.enqueue_dma source(%dma_start3A_208 : memref<128x128xf32, #tpu.memory_space<vmem>>) target(%dma_start3A_204 : memref<128x128xf32, #tpu.memory_space<hbm>>) target_semaphore(%dma_start3A_201 : memref<!tpu.dma_semaphore, #tpu.memory_space<semaphore_mem>>)
    }
    %scan3A_67 = arith.constant 50 : i32
    %dma_wait3A_68 = arith.constant 4 : i32
    %dma_wait3A_69 = arith.constant 46 : i32
    %dma_wait3A_70 = arith.constant 4 : i32
    %dma_wait3A_71 = arith.constant 0 : i32
    %dma_wait3A_72 = arith.constant 0 : i32
    %dma_wait3A_73 = tpu.memref_slice %arg6[%dma_wait3A_68, %dma_wait3A_71, %dma_wait3A_72] : memref<6x128x128xf32, #tpu.memory_space<vmem>> -> memref<1x128x128xf32, #tpu.memory_space<vmem>>
    %dma_wait3A_74 = tpu.memref_squeeze %dma_wait3A_73 : memref<1x128x128xf32, #tpu.memory_space<vmem>> -> memref<128x128xf32, #tpu.memory_space<vmem>>
    %dma_wait3A_75 = arith.constant 0 : i32
    %dma_wait3A_76 = tpu.memref_slice %arg4[%dma_wait3A_69, %mul3A_2, %dma_wait3A_75] : memref<50x4096x128xf32, #tpu.memory_space<hbm>> -> memref<1x128x128xf32, #tpu.memory_space<hbm>>
    %dma_wait3A_77 = tpu.memref_squeeze %dma_wait3A_76 : memref<1x128x128xf32, #tpu.memory_space<hbm>> -> memref<128x128xf32, #tpu.memory_space<hbm>>
    %dma_wait3A_78 = tpu.memref_slice %arg9[%dma_wait3A_70] : memref<6x!tpu.dma_semaphore, #tpu.memory_space<semaphore_mem>> -> memref<1x!tpu.dma_semaphore, #tpu.memory_space<semaphore_mem>>
    %dma_wait3A_79 = tpu.memref_squeeze %dma_wait3A_78 : memref<1x!tpu.dma_semaphore, #tpu.memory_space<semaphore_mem>> -> memref<!tpu.dma_semaphore, #tpu.memory_space<semaphore_mem>>
    %dma_wait3A_80 = arith.constant 0 : i32
    %dma_wait3A_81 = tpu.memref_slice %arg4[%dma_wait3A_69, %mul3A_2, %dma_wait3A_80] : memref<50x4096x128xf32, #tpu.memory_space<hbm>> -> memref<1x128x128xf32, #tpu.memory_space<hbm>>
    %dma_wait3A_82 = tpu.memref_squeeze %dma_wait3A_81 : memref<1x128x128xf32, #tpu.memory_space<hbm>> -> memref<128x128xf32, #tpu.memory_space<hbm>>
    %dma_wait3A_83 = arith.constant 0 : i32
    %dma_wait3A_84 = arith.constant 0 : i32
    %dma_wait3A_85 = tpu.memref_slice %arg6[%dma_wait3A_68, %dma_wait3A_83, %dma_wait3A_84] : memref<6x128x128xf32, #tpu.memory_space<vmem>> -> memref<1x128x128xf32, #tpu.memory_space<vmem>>
    %dma_wait3A_86 = tpu.memref_squeeze %dma_wait3A_85 : memref<1x128x128xf32, #tpu.memory_space<vmem>> -> memref<128x128xf32, #tpu.memory_space<vmem>>
    tpu.wait_dma2 semaphore(%dma_wait3A_79 : memref<!tpu.dma_semaphore, #tpu.memory_space<semaphore_mem>>) src(%dma_wait3A_86 : memref<128x128xf32, #tpu.memory_space<vmem>>) dst(%dma_wait3A_82 : memref<128x128xf32, #tpu.memory_space<hbm>>)
    %dma_wait3A_87 = arith.constant 5 : i32
    %dma_wait3A_88 = arith.constant 47 : i32
    %dma_wait3A_89 = arith.constant 5 : i32
    %dma_wait3A_90 = arith.constant 0 : i32
    %dma_wait3A_91 = arith.constant 0 : i32
    %dma_wait3A_92 = tpu.memref_slice %arg6[%dma_wait3A_87, %dma_wait3A_90, %dma_wait3A_91] : memref<6x128x128xf32, #tpu.memory_space<vmem>> -> memref<1x128x128xf32, #tpu.memory_space<vmem>>
    %dma_wait3A_93 = tpu.memref_squeeze %dma_wait3A_92 : memref<1x128x128xf32, #tpu.memory_space<vmem>> -> memref<128x128xf32, #tpu.memory_space<vmem>>
    %dma_wait3A_94 = arith.constant 0 : i32
    %dma_wait3A_95 = tpu.memref_slice %arg4[%dma_wait3A_88, %mul3A_2, %dma_wait3A_94] : memref<50x4096x128xf32, #tpu.memory_space<hbm>> -> memref<1x128x128xf32, #tpu.memory_space<hbm>>
    %dma_wait3A_96 = tpu.memref_squeeze %dma_wait3A_95 : memref<1x128x128xf32, #tpu.memory_space<hbm>> -> memref<128x128xf32, #tpu.memory_space<hbm>>
    %dma_wait3A_97 = tpu.memref_slice %arg9[%dma_wait3A_89] : memref<6x!tpu.dma_semaphore, #tpu.memory_space<semaphore_mem>> -> memref<1x!tpu.dma_semaphore, #tpu.memory_space<semaphore_mem>>
    %dma_wait3A_98 = tpu.memref_squeeze %dma_wait3A_97 : memref<1x!tpu.dma_semaphore, #tpu.memory_space<semaphore_mem>> -> memref<!tpu.dma_semaphore, #tpu.memory_space<semaphore_mem>>
    %dma_wait3A_99 = arith.constant 0 : i32
    %dma_wait3A_100 = tpu.memref_slice %arg4[%dma_wait3A_88, %mul3A_2, %dma_wait3A_99] : memref<50x4096x128xf32, #tpu.memory_space<hbm>> -> memref<1x128x128xf32, #tpu.memory_space<hbm>>
    %dma_wait3A_101 = tpu.memref_squeeze %dma_wait3A_100 : memref<1x128x128xf32, #tpu.memory_space<hbm>> -> memref<128x128xf32, #tpu.memory_space<hbm>>
    %dma_wait3A_102 = arith.constant 0 : i32
    %dma_wait3A_103 = arith.constant 0 : i32
    %dma_wait3A_104 = tpu.memref_slice %arg6[%dma_wait3A_87, %dma_wait3A_102, %dma_wait3A_103] : memref<6x128x128xf32, #tpu.memory_space<vmem>> -> memref<1x128x128xf32, #tpu.memory_space<vmem>>
    %dma_wait3A_105 = tpu.memref_squeeze %dma_wait3A_104 : memref<1x128x128xf32, #tpu.memory_space<vmem>> -> memref<128x128xf32, #tpu.memory_space<vmem>>
    tpu.wait_dma2 semaphore(%dma_wait3A_98 : memref<!tpu.dma_semaphore, #tpu.memory_space<semaphore_mem>>) src(%dma_wait3A_105 : memref<128x128xf32, #tpu.memory_space<vmem>>) dst(%dma_wait3A_101 : memref<128x128xf32, #tpu.memory_space<hbm>>)
    %dma_wait3A_106 = arith.constant 0 : i32
    %dma_wait3A_107 = arith.constant 48 : i32
    %dma_wait3A_108 = arith.constant 0 : i32
    %dma_wait3A_109 = arith.constant 0 : i32
    %dma_wait3A_110 = arith.constant 0 : i32
    %dma_wait3A_111 = tpu.memref_slice %arg6[%dma_wait3A_106, %dma_wait3A_109, %dma_wait3A_110] : memref<6x128x128xf32, #tpu.memory_space<vmem>> -> memref<1x128x128xf32, #tpu.memory_space<vmem>>
    %dma_wait3A_112 = tpu.memref_squeeze %dma_wait3A_111 : memref<1x128x128xf32, #tpu.memory_space<vmem>> -> memref<128x128xf32, #tpu.memory_space<vmem>>
    %dma_wait3A_113 = arith.constant 0 : i32
    %dma_wait3A_114 = tpu.memref_slice %arg4[%dma_wait3A_107, %mul3A_2, %dma_wait3A_113] : memref<50x4096x128xf32, #tpu.memory_space<hbm>> -> memref<1x128x128xf32, #tpu.memory_space<hbm>>
    %dma_wait3A_115 = tpu.memref_squeeze %dma_wait3A_114 : memref<1x128x128xf32, #tpu.memory_space<hbm>> -> memref<128x128xf32, #tpu.memory_space<hbm>>
    %dma_wait3A_116 = tpu.memref_slice %arg9[%dma_wait3A_108] : memref<6x!tpu.dma_semaphore, #tpu.memory_space<semaphore_mem>> -> memref<1x!tpu.dma_semaphore, #tpu.memory_space<semaphore_mem>>
    %dma_wait3A_117 = tpu.memref_squeeze %dma_wait3A_116 : memref<1x!tpu.dma_semaphore, #tpu.memory_space<semaphore_mem>> -> memref<!tpu.dma_semaphore, #tpu.memory_space<semaphore_mem>>
    %dma_wait3A_118 = arith.constant 0 : i32
    %dma_wait3A_119 = tpu.memref_slice %arg4[%dma_wait3A_107, %mul3A_2, %dma_wait3A_118] : memref<50x4096x128xf32, #tpu.memory_space<hbm>> -> memref<1x128x128xf32, #tpu.memory_space<hbm>>
    %dma_wait3A_120 = tpu.memref_squeeze %dma_wait3A_119 : memref<1x128x128xf32, #tpu.memory_space<hbm>> -> memref<128x128xf32, #tpu.memory_space<hbm>>
    %dma_wait3A_121 = arith.constant 0 : i32
    %dma_wait3A_122 = arith.constant 0 : i32
    %dma_wait3A_123 = tpu.memref_slice %arg6[%dma_wait3A_106, %dma_wait3A_121, %dma_wait3A_122] : memref<6x128x128xf32, #tpu.memory_space<vmem>> -> memref<1x128x128xf32, #tpu.memory_space<vmem>>
    %dma_wait3A_124 = tpu.memref_squeeze %dma_wait3A_123 : memref<1x128x128xf32, #tpu.memory_space<vmem>> -> memref<128x128xf32, #tpu.memory_space<vmem>>
    tpu.wait_dma2 semaphore(%dma_wait3A_117 : memref<!tpu.dma_semaphore, #tpu.memory_space<semaphore_mem>>) src(%dma_wait3A_124 : memref<128x128xf32, #tpu.memory_space<vmem>>) dst(%dma_wait3A_120 : memref<128x128xf32, #tpu.memory_space<hbm>>)
    %dma_wait3A_125 = arith.constant 1 : i32
    %dma_wait3A_126 = arith.constant 49 : i32
    %dma_wait3A_127 = arith.constant 1 : i32
    %dma_wait3A_128 = arith.constant 0 : i32
    %dma_wait3A_129 = arith.constant 0 : i32
    %dma_wait3A_130 = tpu.memref_slice %arg6[%dma_wait3A_125, %dma_wait3A_128, %dma_wait3A_129] : memref<6x128x128xf32, #tpu.memory_space<vmem>> -> memref<1x128x128xf32, #tpu.memory_space<vmem>>
    %dma_wait3A_131 = tpu.memref_squeeze %dma_wait3A_130 : memref<1x128x128xf32, #tpu.memory_space<vmem>> -> memref<128x128xf32, #tpu.memory_space<vmem>>
    %dma_wait3A_132 = arith.constant 0 : i32
    %dma_wait3A_133 = tpu.memref_slice %arg4[%dma_wait3A_126, %mul3A_2, %dma_wait3A_132] : memref<50x4096x128xf32, #tpu.memory_space<hbm>> -> memref<1x128x128xf32, #tpu.memory_space<hbm>>
    %dma_wait3A_134 = tpu.memref_squeeze %dma_wait3A_133 : memref<1x128x128xf32, #tpu.memory_space<hbm>> -> memref<128x128xf32, #tpu.memory_space<hbm>>
    %dma_wait3A_135 = tpu.memref_slice %arg9[%dma_wait3A_127] : memref<6x!tpu.dma_semaphore, #tpu.memory_space<semaphore_mem>> -> memref<1x!tpu.dma_semaphore, #tpu.memory_space<semaphore_mem>>
    %dma_wait3A_136 = tpu.memref_squeeze %dma_wait3A_135 : memref<1x!tpu.dma_semaphore, #tpu.memory_space<semaphore_mem>> -> memref<!tpu.dma_semaphore, #tpu.memory_space<semaphore_mem>>
    %dma_wait3A_137 = arith.constant 0 : i32
    %dma_wait3A_138 = tpu.memref_slice %arg4[%dma_wait3A_126, %mul3A_2, %dma_wait3A_137] : memref<50x4096x128xf32, #tpu.memory_space<hbm>> -> memref<1x128x128xf32, #tpu.memory_space<hbm>>
    %dma_wait3A_139 = tpu.memref_squeeze %dma_wait3A_138 : memref<1x128x128xf32, #tpu.memory_space<hbm>> -> memref<128x128xf32, #tpu.memory_space<hbm>>
    %dma_wait3A_140 = arith.constant 0 : i32
    %dma_wait3A_141 = arith.constant 0 : i32
    %dma_wait3A_142 = tpu.memref_slice %arg6[%dma_wait3A_125, %dma_wait3A_140, %dma_wait3A_141] : memref<6x128x128xf32, #tpu.memory_space<vmem>> -> memref<1x128x128xf32, #tpu.memory_space<vmem>>
    %dma_wait3A_143 = tpu.memref_squeeze %dma_wait3A_142 : memref<1x128x128xf32, #tpu.memory_space<vmem>> -> memref<128x128xf32, #tpu.memory_space<vmem>>
    tpu.wait_dma2 semaphore(%dma_wait3A_136 : memref<!tpu.dma_semaphore, #tpu.memory_space<semaphore_mem>>) src(%dma_wait3A_143 : memref<128x128xf32, #tpu.memory_space<vmem>>) dst(%dma_wait3A_139 : memref<128x128xf32, #tpu.memory_space<hbm>>)
    return
  }
}

</mosaic_0001>

<sc_bundles>
// kernel: kernel.3.cloned.1.call-start
scs
__scs_entry_jumppad:
0x0: {  	(pc) =	sbr.rel $0x88, $3  }
0x1: {  	(tag) =	ssettag $0x0;
	lr =	simm.s32 $0x1  }
0x2: {  	[smem:$0x3F9F] =	sst lr;
	_ =	strace $0xD0000000  }
0x3: {  	_ = 	snop  }
0x4: {  	_ = 	snop  }
0x5: {  	_ = 	snop  }
0x6: {  	_ = 	snop  }
0x7: {  	_ = 	snop  }
__scs_overlays_trampoline_lowered:
0x8: {  	[smem:$0x3FAE] =	sst s0  }
0x9: {  	[smem:$0x3FAF] =	sst s1  }
0xa: {  	[smem:$0x3FB0] =	sst s2  }
0xb: {  	[smem:$0x3FB1] =	sst s3  }
0xc: {  	[smem:$0x3FB2] =	sst s4  }
0xd: {  	[smem:$0x3FB3] =	sst s5  }
0xe: {  	[smem:$0x3FB4] =	sst s6  }
0xf: {  	[smem:$0x3FB5] =	sst s7  }
0x10: {  	[smem:$0x3FB6] =	sst s8  }
0x11: {  	[smem:$0x3FB7] =	sst s9;
	s0 =	simm.s32 @!p0 $0x0  }
0x12: {  	s1 =	sld [smem:$0x3F9D];
	s0 =	simm.s32 @p0 $0x1  }
0x13: {  	[smem:$0x3FB8] =	sst s0;
	s0 =	simm.s32 @!p1 $0x0  }
0x14: {  	s2 =	sld [smem:$0x3F9C];
	s0 =	simm.s32 @p1 $0x1  }
0x15: {  	[smem:$0x3FB9] =	sst s0;
	s0 =	simm.s32 @!p2 $0x0  }
0x16: {  	s3 =	sld [smem:$0x3FDB];
	s0 =	simm.s32 @p2 $0x1  }
0x17: {  	s4 =	simm.s32 $0x1BF5;
	[smem:$0x3FBB] =	sst s0  }
0x18: {  	s0 =	sld [smem:$0x3F9E];
	_ =	swait.ge [sflag:s4], $0x0  }
0x19: {  	s7 =	sld [smem:$0x3F9F]  }
0x1a: {  	s8 =	sadd.s32 $0xFFFFE003, lr  }
0x1b: {  	s9 =	sadd.s32 $0xFFFFFEF7, lr;
	s5 =	simm.s32 $0xFFFFFFFF;
	p2 =	slt.u32 s8, $0xFFFFF086  }
0x1c: {  	p1 =	slt.u32 s9, $0xF7A;
	s5 =	simm.s32 @!p2 $0x0  }
0x1d: {  	s5 =	simm.s32 @p1 $0x1;
	p0 =	seq.s32 s7, s2  }
0x1e: {  	s7 =	smul.u32 @!p0 $0xF7A, s2;
	p2 =	seq.s32 @!p0 s5, $0x0  }
0x1f: {  	s9 =	smul.u32 $0xF7A, s1;
	s8 =	simm.s32 @!p0 $0x1BF5;
	p2 =	por !p2, p0  }
0x20: {  	[sflag:s8] =	ssyncset.s32 @!p0 $0xFFFFF086;
	s6 =	sadd.s32 @!p0 s3, s7;
	s7 =	simm.s32 @!p0 $0x108  }
0x21: {  	s3 =	sadd.s32 s3, s9;
	s6 =	sadd.s32 @!p0 $0x88, s6;
	s7 =	simm.s32 @p2 $0x1082  }
0x22: {  	[simem:s7], [sflag:s8] =	dma.local @!p0 [hbm:s6], $0xF7A  }
0x23: {  	s9 =	sor.u32 $0xD0000000, s2;
	s6 =	simm.s32 $0x108;
	_ =	swait.ge @!p0 [sflag:s8], $0x0  }
0x24: {  	s3 =	sadd.s32 $0x88, s3;
	s6 =	simm.s32 @!p1 $0x1082;
	[sflag:s4] =	ssyncset.s32 $0xFFFFF086  }
0x25: {  	[simem:s6], [sflag:s4] =	dma.local [hbm:s3], $0xF7A  }
0x26: {  	[smem:$0x3F9F] =	sst s1;
	(tag) =	ssettag s2;
	_ =	strace s9  }
0x27: {  	s1 =	sld [smem:$0x3FAF]  }
0x28: {  	s2 =	sld [smem:$0x3FB0]  }
0x29: {  	s4 =	sld [smem:$0x3FB2]  }
0x2a: {  	p0 =	seq.s32 s5, $0x0;
	s5 =	sld [smem:$0x3FB3]  }
0x2b: {  	s6 =	sld [smem:$0x3FB4]  }
0x2c: {  	s7 =	sld [smem:$0x3FB5]  }
0x2d: {  	s3 =	simm.s32 $0x108;
	s8 =	sld [smem:$0x3FB6]  }
0x2e: {  	s3 =	simm.s32 @!p0 $0x1082;
	s9 =	sld [smem:$0x3FB7]  }
0x2f: {  	lr =	sadd.s32 s0, s3;
	s0 =	sld [smem:$0x3FAE]  }
0x30: {  	s3 =	sld [smem:$0x3FB1]  }
0x31: {  	[smem:$0x3FBA] =	sst s10  }
0x32: {  	s10 =	sld [smem:$0x3FB8];
	_ =	sdelay $0x3  }
0x33: {  	p0 =	seq.s32 s10, $0x1;
	s10 =	sld [smem:$0x3FBA];
	_ =	sdelay $0x3  }
0x34: {  	[smem:$0x3FBA] =	sst s10  }
0x35: {  	s10 =	sld [smem:$0x3FB9];
	_ =	sdelay $0x3  }
0x36: {  	p1 =	seq.s32 s10, $0x1;
	s10 =	sld [smem:$0x3FBA];
	_ =	sdelay $0x3  }
0x37: {  	[smem:$0x3FBA] =	sst s10  }
0x38: {  	s10 =	sld [smem:$0x3FBB]  }
0x39: {  	_ = 	snop;
	(pc) =	sbr.ind lr, $3  }
0x3a: {  	_ = 	snop  }
0x3b: {  	_ = 	snop  }
0x3c: {  	p2 =	seq.s32 s10, $0x1;
	s10 =	sld [smem:$0x3FBA]  }
0x3d: {  	_ =	shalt  }
0x3e: {  	_ =	shalt  }
0x3f: {  	_ =	shalt  }
0x40: {  	_ =	shalt  }
0x41: {  	_ =	shalt  }
0x42: {  	_ =	shalt  }
0x43: {  	_ =	shalt  }
0x44: {  	_ =	shalt  }
0x45: {  	_ =	shalt  }
0x46: {  	_ =	shalt  }
0x47: {  	_ =	shalt  }
0x48: {  	_ =	shalt  }
0x49: {  	_ =	shalt  }
0x4a: {  	_ =	shalt  }
0x4b: {  	_ =	shalt  }
0x4c: {  	_ =	shalt  }
0x4d: {  	_ =	shalt  }
0x4e: {  	_ =	shalt  }
0x4f: {  	_ =	shalt  }
0x50: {  	_ =	shalt  }
0x51: {  	_ =	shalt  }
0x52: {  	_ =	shalt  }
0x53: {  	_ =	shalt  }
0x54: {  	_ =	shalt  }
0x55: {  	_ =	shalt  }
0x56: {  	_ =	shalt  }
0x57: {  	_ =	shalt  }
0x58: {  	_ =	shalt  }
0x59: {  	_ =	shalt  }
0x5a: {  	_ =	shalt  }
0x5b: {  	_ =	shalt  }
0x5c: {  	_ =	shalt  }
0x5d: {  	_ =	shalt  }
0x5e: {  	_ =	shalt  }
0x5f: {  	_ =	shalt  }
0x60: {  	_ =	shalt  }
0x61: {  	_ =	shalt  }
0x62: {  	_ =	shalt  }
0x63: {  	_ =	shalt  }
0x64: {  	_ =	shalt  }
0x65: {  	_ =	shalt  }
0x66: {  	_ =	shalt  }
0x67: {  	_ =	shalt  }
0x68: {  	_ =	shalt  }
0x69: {  	_ =	shalt  }
0x6a: {  	_ =	shalt  }
0x6b: {  	_ =	shalt  }
0x6c: {  	_ =	shalt  }
0x6d: {  	_ =	shalt  }
0x6e: {  	_ =	shalt  }
0x6f: {  	_ =	shalt  }
0x70: {  	_ =	shalt  }
0x71: {  	_ =	shalt  }
0x72: {  	_ =	shalt  }
0x73: {  	_ =	shalt  }
0x74: {  	_ =	shalt  }
0x75: {  	_ =	shalt  }
0x76: {  	_ =	shalt  }
0x77: {  	_ =	shalt  }
0x78: {  	_ =	shalt  }
0x79: {  	_ =	shalt  }
0x7a: {  	_ =	shalt  }
0x7b: {  	_ =	shalt  }
0x7c: {  	_ =	shalt  }
0x7d: {  	_ =	shalt  }
0x7e: {  	_ =	shalt  }
0x7f: {  	_ =	shalt  }
0x80: {  	_ =	shalt  }
0x81: {  	_ =	shalt  }
0x82: {  	_ =	shalt  }
0x83: {  	_ =	shalt  }
0x84: {  	_ =	shalt  }
0x85: {  	_ =	shalt  }
0x86: {  	_ =	shalt  }
0x87: {  	_ =	shalt  }
.Lfunc_end0:
.L_simem_size_0:
called_computation_lowered:
.L_overlay_start_0:
0x88: {  	s2 =	sld [smem:$0x3FD9]  }
0x89: {  	s3 =	sld [smem:$0x3FFE];
	_ =	sdelay $0x1  }
0x8a: {  	s1 =	srdreg.scid  }
0x8b: {  	s0 =	sand.u32 $0x1, s1  }
0x8c: {  	s18 =	sshll.u32 s0, $0xA;
	s2 =	sadd.s32 s3, s2  }
0x8d: {  	s2 =	sadd.s32 s2, s18  }
0x8e: {  	[smem:$0x3FC6] =	sst s2  }
0x8f: {  	_ = 	snop  }
0x90: {  	s2 =	sld [smem:$0x3FC9]  }
0x91: {  	s19 =	sld [smem:$0x3FC8]  }
0x92: {  	s4 =	sld [smem:$0x3FD0];
	(tm) =	ssettm $0x1  }
0x93: {  	s5 =	sld [smem:$0x3FFB];
	_ =	sdelay $0x3  }
0x94: {  	_ =	strace s5  }
0x95: {  	s5 =	sld [smem:$0x3FFC];
	_ =	sdelay $0x3  }
0x96: {  	_ =	strace s5  }
0x97: {  	s5 =	sld [smem:$0x3FFD];
	_ =	sdelay $0x3  }
0x98: {  	_ =	strace s5  }
0x99: {  	_ =	strace $0x8FFFFFFF  }
0x9a: {  	s20 =	sld [smem:$0x3FDB];
	_ =	sdelay $0x1  }
0x9b: {  	s6 =	simm.s32 $_scs_section_size  }
0x9c: {  	s7 =	simm.s32 $_size__tile_overlayer_lowered;
	s8 =	simm.s32 $_tile_overlayer_lowered  }
0x9d: {  	s23 =	simm.s32 $0x1BFF;
	s22 =	sshll.u32 s8, $0x1;
	s5 =	sadd.s32 s6, s20  }
0x9e: {  	s9 =	simm.s32 $0x0;
	s21 =	sshll.u32 s7, $0x1;
	s7 =	sadd.s32 s22, s5  }
0x9f: {  	[timem:s9], [sflag:s23] =	dma.local [hbm:s7], s21  }
0xa0: {  	_ =	swait.ge [sflag:s23], s21  }
0xa1: {  	s6 =	ssub.s32 $0x0, s21;
	[sflag:s23] =	ssyncset.done $0x0  }
0xa2: {  	[sflag:s23] =	ssyncadd.s32 s6;
	_ =	sdelay $0x1  }
0xa3: {  	s24 =	simm.s32 $0x1B8B  }
0xa4: {  	_ =	swait.ge [sflag:s24], $0x1  }
0xa5: {  	[sflag:s24] =	ssyncset.done $0x0  }
0xa6: {  	s25 =	simm.s32 $0x1B8E;
	[sflag:s24] =	ssyncadd.s32 $0xFFFFFFFF  }
0xa7: {  	s26 =	simm.s32 $execute0_lowered;
	[smem:$0x3FD2] =	sst s25  }
0xa8: {  	s6 =	sshll.u32 s26, $0x1;
	_ =	strace $0x80000046;
	[dreg:$0x1] =	wrdreg $0xFFFFFFFF  }
0xa9: {  	s28 =	simm.s32 $_size_execute0_lowered;
	s5 =	sadd.s32 s5, s6;
	[dreg:$0x0] =	wrdreg $0x0  }
0xaa: {  	s6 =	sshll.u32 s28, $0x1;
	[dreg:$0x2] =	wrdreg s5  }
0xab: {  	[dreg:$0x3] =	wrdreg s6  }
0xac: {  	[dreg:$0x4] =	wrdreg $0xC0  }
0xad: {  	_ =	task [dreg:s9], $0x5FFFF  }
0xae: {  	[dreg:$0x1] =	wrdreg $0xFFFFFFFF  }
0xaf: {  	[dreg:$0x0] =	wrdreg $0x60  }
0xb0: {  	[dreg:$0x2] =	wrdreg s2  }
0xb1: {  	[dreg:$0x3] =	wrdreg s19  }
0xb2: {  	[dreg:$0x4] =	wrdreg s4  }
0xb3: {  	[dreg:$0x5] =	wrdreg $0x19C000  }
0xb4: {  	[dreg:$0x6] =	wrdreg $0x9  }
0xb5: {  	_ =	task.clear_ibuf [dreg:s9], $0x7FFFF;
	_ =	strace $0x90000046  }
0xb6: {  	s29 =	simm.s32 $0x9;
	_ =	strace $0x80000048  }
0xb7: {  	_ =	swait.ge [sflag:s29], $0x1  }
0xb8: {  	[sflag:s29] =	ssyncadd.s32 $0xFFFFFFFF  }
0xb9: {  	_ =	strace $0x90000048  }
0xba: {  	_ =	sfence  }
0xbb: {  	s30 =	sld [smem:$0x0];
	_ =	sdelay $0x2  }
0xbc: {  	s31 =	sshll.u32 s1, $0xD;
	s1 =	sshrl.u32 s1, $0x2  }
0xbd: {  	s3 =	sand.u32 $0x4000, s31;
	s1 =	sadd.s32 s1, s30  }
0xbe: {  	s0 =	sor.u32 s3, s0;
	s1 =	sshll.u32 s1, $0x11  }
0xbf: {  	s0 =	sor.u32 s1, s0  }
0xc0: {  	s0 =	sadd.s32 $0x8F2B, s0  }
0xc1: {  	[sflag:s0] =	ssyncadd.remote.s32 $0x1  }
0xc2: {  	_ =	sfence.sel $0xFFFF  }
0xc3: {  	[dreg:$0x0] =	wrdreg $0xFFFFFFFF;
	(pc) =	sbr.abs _section_cstart, $3  }
0xc4: {  	[dreg:$0x1] =	wrdreg $0xFFFFFFFF  }
0xc5: {  	_ =	task.clear_ibuf [dreg:s9], $0x2FFFF;
	_ =	strace $0x9FFFFFFF  }
0xc6: {  	(tm) =	ssettm $0x7FFFFFFF  }
0xc7: {  	_ =	shalt  }
tec
execute0_lowered:
.L_overlay_start_1:
0x0: {  	(tag) =	ssettag $0x1  }
0x1: {  	s6 =	rddreg [dreg:$0x0]  }
0x2: {  	s4 =	rddreg [dreg:$0x1]  }
0x3: {  	s7 =	rddreg [dreg:$0x2]  }
0x4: {  	s0 =	srdreg.scid;
	s1 =	rddreg [dreg:$0x3]  }
0x5: {  	s2 =	simm.s32 $0x0;
	s3 =	stileid.u32;
	s13 =	simm.s32 $0x1800  }
0x6: {  	s14 =	simm.s32 $0x4;
	s15 =	simm.s32 $0x3;
	s16 =	simm.s32 $0x80  }
0x7: {  	s17 =	simm.s32 $0x1C00;
	s18 =	simm.s32 $0x5C00;
	s19 =	simm.s32 $0xB  }
0x8: {  	s20 =	simm.s32 $0xC;
	s21 =	simm.s32 $0x7;
	s22 =	simm.s32 $0x8  }
0x9: {  	s23 =	simm.s32 $0x0;
	s8 =	sand.u32 $0x1, s0;
	s0 =	rddreg [dreg:$0x4]  }
0xa: {  	[smem:$0x7FF] =	sst s2;
	s29 =	sshll.u32 s3, $0x8;
	s11 =	sshll.u32 s3, $0xD  }
0xb: {  	s30 =	sshll.u32 s3, $0xA;
	s31 =	sshll.u32 s3, $0x6;
	s12 =	sshll.u32 s3, $0xC  }
0xc: {  	s5 =	ssub.s32 $0x2, s8;
	_ =	strace $0x80000047;
	s10 =	sshll.u32 s8, $0x7  }
0xd: {  	s11 =	sadd.s32 s11, s1;
	s4 =	sadd.s32 s4, s30;
	s12 =	sadd.s32 s12, s7  }
0xe: {  	s8 =	sshll.u32 s8, $0xB;
	s9 =	sshrl.u32 s5, $0x1;
	s10 =	sor.u32 s10, s29  }
0xf: {  	s8 =	sadd.s32 s8, s12;
	s9 =	ssub.s32 s5, s9;
	s5 =	sor.u32 $0x1C03, s31  }
0x10: {  	s6 =	sadd.s32 s6, s10;
	s10 =	simm.s32 $0x400;
	s7 =	smax.u32 s9, $0x1  }
0x11: {  	s9 =	sshrl.u32 s11, $0x3;
	s11 =	simm.s32 $0x8000;
	s12 =	sadd.s32 $0x6000, s6  }
.LBB2_1:
0x12: {  	[spmem:s9], [sflag:s5] =	dma.local [hbm:s4], $0x400  }
0x13: {  	[tilespmem:s2], [sflag:$0x4] =	stream.strided.gather [hbm4b:s6+s10], $0x1800, s11, s10, $0x38;
	[tilespmem:$0x1BC00] =	vst v63  }
0x14: {  	_ = 	snop  }
0x15: {  	[tilespmem:s13], [sflag:$0x4] =	stream.linear.gather [hbm4b:s12+s2], $0x100, $0x38;
	[tilespmem:$0x1BC00] =	vst v63  }
0x16: {  	_ =	swait.ge [sflag:s14], $0x1900  }
0x17: {  	[sflag:s14] =	ssyncset.done $0x0  }
0x18: {  	[sflag:s14] =	ssyncadd.s32 $0xFFFFE700  }
0x19: {  	_ =	swait.ge [sflag:s15], $0x400  }
0x1a: {  	[sflag:s15] =	ssyncset.done $0x0  }
0x1b: {  	[sflag:s15] =	ssyncadd.s32 $0xFFFFFC00  }
0x1c: {  	[bflag:$0x0] =	sbarrier.arrive $0xFFFF  }
0x1d: {  	[tilespmem:s17], [sflag:$0x1] =	stream.indirect.gather [spmem:s1], $0x80, s2, s16, $0xb8;
	[tilespmem:$0x1BC00] =	vst v63  }
0x1e: {  	s24 =	simm.s32 $0x100;
	s25 =	smov.u32 s8;
	s26 =	simm.s32 $0x0  }
0x1f: {  	[tilespmem:s18], [sflag:$0x2] =	stream.indirect.gather [spmem:s1], $0x80, s16, s16, $0xb8;
	[tilespmem:$0x1BC00] =	vst v63  }
.LBB2_2:
0x20: {  	s28 =	smul.u32 $0xAB, s26;
	_ =	sdelay $0x1  }
0x21: {  	s29 =	sadd.s32 $0x156, s28  }
0x22: {  	s29 =	sshrl.u32 s29, $0xA  }
0x23: {  	s29 =	sand.u32 $0x3F, s29  }
0x24: {  	s29 =	smul.u32 $0x6, s29;
	_ =	sdelay $0x1  }
0x25: {  	s29 =	ssub.s32 s26, s29  }
0x26: {  	s28 =	sshrl.u32 s28, $0xA;
	s29 =	sadd.s32 $0x2, s29  }
0x27: {  	p0 =	slt.u32 s26, $0x4;
	s28 =	sand.u32 $0x3F, s28;
	s29 =	sand.u32 $0xFF, s29  }
0x28: {  	s28 =	smul.u32 $0x6, s28;
	s30 =	sadd.s32 @!p0 $0x7, s29  }
0x29: {  	p1 =	sgt.u32 @!p0 s26, $0x2F;
	_ =	swait.ge @!p0 [sflag:s30], $0x4000  }
0x2a: {  	p1 =	por p0, !p1;
	s28 =	ssub.s32 s26, s28;
	[sflag:s30] =	ssyncset.done @!p0 $0x0  }
0x2b: {  	s28 =	sand.u32 $0xFF, s28;
	[sflag:s30] =	ssyncadd.s32 @!p0 $0xFFFFC000;
	s30 =	sshll.u32 @p1 s29, $0xE  }
0x2c: {  	s26 =	sadd.s32 $0x1, s26;
	s29 =	sadd.s32 @p1 $0x1, s29;
	s30 =	sor.u32 @p1 $0x1C00, s30  }
0x2d: {  	[tilespmem:s30], [sflag:s29] =	stream.indirect.gather @p1 [spmem:s1], $0x80, s24, s16, $0xb8;
	[tilespmem:$0x1BC00] =	vst v63  }
0x2e: {  	p0 =	sne.s32 s26, $0x32;
	s29 =	sadd.s32 $0x1, s28  }
.Ltmp0:
0x2f: {  	_ =	swait.ge [sflag:s29], $0x4000;
	(pc) =	sbr.rel @p0 .LBB2_2-.Ltmp0, $4  }
0x30: {  	s31 =	sshll.u32 s28, $0xE;
	[sflag:s29] =	ssyncset.done $0x0  }
0x31: {  	s31 =	sor.u32 $0x1C00, s31;
	s28 =	sadd.s32 $0x7, s28;
	[sflag:s29] =	ssyncadd.s32 $0xFFFFC000  }
0x32: {  	[hbm4b:s25+s2] =	stream.linear.scatter [tilespmem:s31], [sflag:s28], $0x4000, $0x38;
	[tilespmem:$0x1BC00] =	vst v63  }
0x33: {  	s24 =	sadd.s32 $0x80, s24;
	s25 =	sadd.s32 $0x10000, s25  }
0x34: {  	_ =	swait.ge [sflag:s19], $0x4000  }
0x35: {  	[sflag:s19] =	ssyncset.done $0x0  }
0x36: {  	[sflag:s19] =	ssyncadd.s32 $0xFFFFC000  }
0x37: {  	_ =	swait.ge [sflag:s20], $0x4000  }
0x38: {  	[sflag:s20] =	ssyncset.done $0x0  }
0x39: {  	s23 =	sadd.s32 $0x1, s23;
	[sflag:s20] =	ssyncadd.s32 $0xFFFFC000  }
0x3a: {  	p0 =	sne.s32 s23, s7;
	_ =	swait.ge [sflag:s21], $0x4000  }
.Ltmp1:
0x3b: {  	[sflag:s21] =	ssyncset.done $0x0;
	(pc) =	sbr.rel @p0 .LBB2_1-.Ltmp1, $4  }
0x3c: {  	[sflag:s21] =	ssyncadd.s32 $0xFFFFC000  }
0x3d: {  	_ =	swait.ge [sflag:s22], $0x4000  }
0x3e: {  	[sflag:s22] =	ssyncset.done $0x0  }
0x3f: {  	[sflag:s22] =	ssyncadd.s32 $0xFFFFC000  }
0x40: {  	_ =	sfence.sel $0x180000  }
0x41: {  	[bflag:$0x0] =	sbarrier.arrive $0xFFFF  }
0x42: {  	p0 =	sne.s32 s3, $0x0;
	_ =	strace $0x90000047  }
0x43: {  	s0 =	sadd.s32 @!p0 $0x100000, s0;
	[bflag:$0x2] =	sbarrier.arrive $0xFFFF  }
0x44: {  	[sflag:s0] =	ssyncadd.tile.s32 @!p0 $0x1;
	_ =	shalt  }
.Lfunc_end2:
_tile_overlayer_lowered:
.L_overlay_start_2:
0x45: {  	(tag) =	ssettag $0x2  }
0x46: {  	s0 =	rddreg [dreg:$0x0];
	s2 =	stileid.u32  }
0x47: {  	s1 =	rddreg [dreg:$0x1];
	p0 =	sne.s32 s2, $0x0  }
0x48: {  	s3 =	rddreg [dreg:$0x2];
	[bflag:$0x3] =	sbarrier.arrive $0xFFFF;
	s2 =	simm.s32 @!p0 $0x1C0D  }
0x49: {  	[timem:s3], [sflag:s2] =	dma.local @!p0 [hbm:s0], s1  }
0x4a: {  	s0 =	simm.s32 @!p0 $0xD  }
0x4b: {  	_ =	swait.ge @!p0 [sflag:s0], s1  }
0x4c: {  	s1 =	ssub.s32 @!p0 $0x0, s1;
	[sflag:s0] =	ssyncset.done @!p0 $0x0  }
0x4d: {  	[sflag:s0] =	ssyncadd.s32 @!p0 s1  }
0x4e: {  	[bflag:$0x3] =	sbarrier.arrive $0xFFFF  }
0x4f: {  	_ =	shalt  }

</sc_bundles>
